<compile_context>
chip_gen: v7x
topology: tpu7x:2x2x1
jax: 0.10.2.dev20260603
libtpu: 0.0.44.dev20260713+nightly
codegen_flags: <defaults>
</compile_context>

<pallas_src>
import functools

import jax
import jax.numpy as jnp
from jax import lax
from jax.experimental import pallas as pl
from jax.experimental.pallas import tpu as pltpu
from jax.experimental.pallas import tpu_sc as plsc

_B, _H, _W, _C = 16, 32, 32, 768
_ROWS = _H * _W
_BR = 128
_N = _ROWS * _C

_info = plsc.get_sparse_core_info()
_NC, _NS, _L = _info.num_cores, _info.num_subcores, _info.num_lanes
_NW = _NC * _NS
_PER_W = _N // _NW
_NV = _PER_W // _L


def _sc_quant_body(scale_hbm, mid_hbm, tab_hbm, q_hbm, s_v, q_v, mid_v, tab_v):
    wid = lax.axis_index("s") * _NC + lax.axis_index("c")
    base = wid * _PER_W
    pltpu.sync_copy(mid_hbm, mid_v)
    pltpu.sync_copy(tab_hbm, tab_v)
    pltpu.sync_copy(scale_hbm.at[pl.ds(base, _PER_W)], s_v)

    def body(i, _):
        s = jnp.abs(s_v[pl.ds(i * _L, _L)])
        low = jnp.zeros((_L,), jnp.int32)
        for sz in (32, 16, 8, 4, 2, 1):
            probe = low + (sz - 1)
            mvals = plsc.load_gather(mid_v, [probe])
            low = low + jnp.where(mvals < s, sz, 0)
        q_v[pl.ds(i * _L, _L)] = plsc.load_gather(tab_v, [low])
        return 0

    lax.fori_loop(0, _NV, body, 0)
    pltpu.sync_copy(q_v, q_hbm.at[pl.ds(base, _PER_W)])


def _sc_quantize_scale(scale_flat, midpoints, scale_table):
    mid_pad = jnp.concatenate(
        [midpoints, jnp.full((1,), jnp.inf, jnp.float32)])
    mesh = plsc.VectorSubcoreMesh(core_axis_name="c", subcore_axis_name="s")
    kern = functools.partial(
        pl.kernel, mesh=mesh,
        out_type=jax.ShapeDtypeStruct((_N,), jnp.float32),
        scratch_types=[
            pltpu.VMEM((_PER_W,), jnp.float32),
            pltpu.VMEM((_PER_W,), jnp.float32),
            pltpu.VMEM((64,), jnp.float32),
            pltpu.VMEM((64,), jnp.float32),
        ],
        compiler_params=pltpu.CompilerParams(needs_layout_passes=False),
    )(_sc_quant_body)
    return kern(scale_flat, mid_pad, scale_table)


def _tc_body(x_ref, q_ref, mean_ref, out_ref):
    q = q_ref[...]
    m = mean_ref[...]
    x = x_ref[...]
    qb = q[None, :, :]
    mb = m[None, :, :]
    out_ref[...] = jnp.round((x - mb) / qb) * qb + mb


def kernel(inputs, scale, mean, scale_table, midpoints):
    x = inputs.reshape(_B, _ROWS, _C)
    m = mean.reshape(_ROWS, _C)

    q = _sc_quantize_scale(scale.reshape(-1), midpoints, scale_table)
    q = q.reshape(_ROWS, _C)

    grid = (_ROWS // _BR,)
    out = pl.pallas_call(
        _tc_body,
        grid=grid,
        in_specs=[
            pl.BlockSpec((_B, _BR, _C), lambda i: (0, i, 0)),
            pl.BlockSpec((_BR, _C), lambda i: (i, 0)),
            pl.BlockSpec((_BR, _C), lambda i: (i, 0)),
        ],
        out_specs=pl.BlockSpec((_B, _BR, _C), lambda i: (0, i, 0)),
        out_shape=jax.ShapeDtypeStruct((_B, _ROWS, _C), jnp.float32),
        compiler_params=pltpu.CompilerParams(
            dimension_semantics=("arbitrary",),
        ),
    )(x, q, m)
    return out.reshape(_B, _H, _W, _C)

# --- scband reference (transcript-rebuilt; emitter-appended) ---
"""Pipeline reference for scband-patched-gaussian-conditional-2989297238020 (READ-ONLY COPY).

The authoritative reference and input builder live on the scoring server;
editing this copy changes nothing except your own understanding.
"""

import jax, jax.numpy as jnp
import numpy as np

_SCALE_TABLE = np.array([0.11, 0.124404, 0.140695, 0.159119, 0.179954, 0.203518, 0.230168, 0.260308, 0.294394, 0.332943, 0.37654, 0.425846, 0.481608, 0.544672, 0.615994, 0.696655, 0.787878, 0.891047, 1.007725, 1.139682, 1.288919, 1.457697, 1.648573, 1.864441, 2.108578, 2.384683, 2.696944, 3.050093, 3.449484, 3.901172, 4.41201, 4.989737, 5.643112, 6.382039, 7.217723, 8.16284, 9.231718, 10.440555, 11.807683, 13.353821, 15.102411, 17.079961, 19.316477, 21.845863, 24.706455, 27.941616, 31.600411, 35.738302, 40.418058, 45.710602, 51.696182, 58.465528, 66.121261, 74.779502, 84.571576, 95.645878, 108.170303, 122.334783, 138.354088, 156.471187, 176.96053, 200.132868, 226.339508, 256.0], dtype=np.float32)


def setup_inputs(seed: int = 0) -> dict:
    key = jax.random.key(seed)
    inputs = jax.random.normal(key, (16, 32, 32, 768), dtype=jnp.float32)
    # learned params per keras build(): scale = Constant(initial_scale) over input_shape[1:],
    # mean = zeros over input_shape[1:]
    scale = jnp.full((32, 32, 768), 1.0, dtype=jnp.float32)
    mean = jnp.zeros((32, 32, 768), dtype=jnp.float32)
    scale_table = jnp.asarray(_SCALE_TABLE)
    midpoints = (scale_table[:-1] + scale_table[1:]) / 2.0
    return {"inputs": inputs, "scale": scale, "mean": mean, "scale_table": scale_table, "midpoints": midpoints}


def _quantize_scale(scale, scale_table, midpoints):
    s = jnp.abs(scale)
    s = jnp.clip(s, scale_table[0], scale_table[-1])
    flat = jnp.reshape(s, (-1,))
    idx = jnp.searchsorted(midpoints, flat, side='left')
    idx = jnp.minimum(idx, scale_table.shape[0] - 1)
    q = jnp.take(scale_table, idx, axis=0)
    return jnp.reshape(q, s.shape)


def reference(inputs, scale, mean, scale_table, midpoints):
    # call() = decompress(compress(inputs))
    qs = _quantize_scale(scale, scale_table, midpoints)
    centered = inputs - mean
    normalized = centered / qs
    quantized = jnp.round(normalized)
    denormalized = quantized * qs
    return denormalized + mean

if __name__ == "__main__":
    import jax
    _d = setup_inputs()
    print(jax.jit(kernel)(*tuple(_d.values())))

</pallas_src>

<mosaic_0001>
#map = affine_map<(d0, d1) -> (0)>
module attributes {stable_mosaic.version = 14 : i64} {
  func.func @_sc_quant_body(%arg0: i32, %arg1: i32, %arg2: memref<786432xf32, #tpu.memory_space<hbm>>, %arg3: memref<64xf32, #tpu.memory_space<hbm>>, %arg4: memref<64xf32, #tpu.memory_space<hbm>>, %arg5: memref<786432xf32, #tpu.memory_space<hbm>>, %arg6: memref<24576xf32, #tpu.memory_space<vmem>>, %arg7: memref<24576xf32, #tpu.memory_space<vmem>>, %arg8: memref<64xf32, #tpu.memory_space<vmem>>, %arg9: memref<64xf32, #tpu.memory_space<vmem>>) attributes {dimension_semantics = [#tpu.dimension_semantics<core_parallel>, #tpu.dimension_semantics<subcore_parallel>], iteration_bounds = array<i64: 2, 16>, scalar_prefetch = 0 : i64, scratch_operands = 4 : i64, tpu.core_type = #tpu.core_type<sc_vector_subcore>, window_params = [{transform_indices = #map}, {transform_indices = #map}, {transform_indices = #map}, {transform_indices = #map}]} {
    %mul3A = arith.constant 2 : i32
    %mul3A_0 = arith.muli %arg1, %mul3A : i32
    %add3A = arith.addi %mul3A_0, %arg0 : i32
    %mul3A_1 = arith.constant 24576 : i32
    %mul3A_2 = arith.muli %add3A, %mul3A_1 : i32
    "tpu.region"() ({
      %run_scoped3A = tpu.sem_alloc : memref<!tpu.dma_semaphore, #tpu.memory_space<semaphore_mem>>
      tpu.enqueue_dma source(%arg3 : memref<64xf32, #tpu.memory_space<hbm>>) target(%arg8 : memref<64xf32, #tpu.memory_space<vmem>>) target_semaphore(%run_scoped3A : memref<!tpu.dma_semaphore, #tpu.memory_space<semaphore_mem>>)
      tpu.wait_dma2 semaphore(%run_scoped3A : memref<!tpu.dma_semaphore, #tpu.memory_space<semaphore_mem>>) src(%arg3 : memref<64xf32, #tpu.memory_space<hbm>>) dst(%arg8 : memref<64xf32, #tpu.memory_space<vmem>>)
      tpu.yield
    }) : () -> ()
    "tpu.region"() ({
      %run_scoped3A = tpu.sem_alloc : memref<!tpu.dma_semaphore, #tpu.memory_space<semaphore_mem>>
      tpu.enqueue_dma source(%arg4 : memref<64xf32, #tpu.memory_space<hbm>>) target(%arg9 : memref<64xf32, #tpu.memory_space<vmem>>) target_semaphore(%run_scoped3A : memref<!tpu.dma_semaphore, #tpu.memory_space<semaphore_mem>>)
      tpu.wait_dma2 semaphore(%run_scoped3A : memref<!tpu.dma_semaphore, #tpu.memory_space<semaphore_mem>>) src(%arg4 : memref<64xf32, #tpu.memory_space<hbm>>) dst(%arg9 : memref<64xf32, #tpu.memory_space<vmem>>)
      tpu.yield
    }) : () -> ()
    "tpu.region"() ({
      %run_scoped3A = tpu.sem_alloc : memref<!tpu.dma_semaphore, #tpu.memory_space<semaphore_mem>>
      %dma_start3A = tpu.memref_slice %arg2[%mul3A_2] : memref<786432xf32, #tpu.memory_space<hbm>> -> memref<24576xf32, #tpu.memory_space<hbm>>
      %dma_start3A_9 = tpu.memref_slice %arg2[%mul3A_2] : memref<786432xf32, #tpu.memory_space<hbm>> -> memref<24576xf32, #tpu.memory_space<hbm>>
      tpu.enqueue_dma source(%dma_start3A_9 : memref<24576xf32, #tpu.memory_space<hbm>>) target(%arg6 : memref<24576xf32, #tpu.memory_space<vmem>>) target_semaphore(%run_scoped3A : memref<!tpu.dma_semaphore, #tpu.memory_space<semaphore_mem>>)
      %dma_wait3A = tpu.memref_slice %arg2[%mul3A_2] : memref<786432xf32, #tpu.memory_space<hbm>> -> memref<24576xf32, #tpu.memory_space<hbm>>
      %dma_wait3A_10 = tpu.memref_slice %arg2[%mul3A_2] : memref<786432xf32, #tpu.memory_space<hbm>> -> memref<24576xf32, #tpu.memory_space<hbm>>
      tpu.wait_dma2 semaphore(%run_scoped3A : memref<!tpu.dma_semaphore, #tpu.memory_space<semaphore_mem>>) src(%dma_wait3A_10 : memref<24576xf32, #tpu.memory_space<hbm>>) dst(%arg6 : memref<24576xf32, #tpu.memory_space<vmem>>)
      tpu.yield
    }) : () -> ()
    %scan3A = arith.constant 0 : i32
    %scan3A_3 = arith.constant 0 : i32
    %scan3A_4 = arith.constant 1536 : i32
    %scan3A_5 = arith.addi %scan3A_3, %scan3A_4 : i32
    %scan3A_6 = arith.constant 1 : i32
    %scan3A_7 = scf.for %scan3A_9 = %scan3A_3 to %scan3A_5 step %scan3A_6 iter_args(%scan3A_10 = %scan3A) -> (i32)  : i32 {
      %mul3A_11 = arith.constant 16 : i32
      %mul3A_12 = arith.muli %scan3A_9, %mul3A_11 : i32
      %get3A = arith.index_cast %mul3A_12 : i32 to index
      %get3A_13 = tpu.vector_load %arg6[%get3A] {strides = array<i32>} : memref<24576xf32, #tpu.memory_space<vmem>>, vector<16xf32>,
      %abs3A = math.absf %get3A_13 : vector<16xf32>
      %broadcast_in_dim3A = arith.constant 0 : i32
      %broadcast_in_dim3A_14 = vector.broadcast %broadcast_in_dim3A : i32 to vector<16xi32>
      %add3A_15 = arith.constant 31 : i32
      %add3A_16 = vector.broadcast %add3A_15 : i32 to vector<16xi32>
      %add3A_17 = arith.addi %broadcast_in_dim3A_14, %add3A_16 : vector<16xi32>
      %gather3A = tpu.vector_load_idx %arg8[%add3A_17] : memref<64xf32, #tpu.memory_space<vmem>>[vector<16xi32>], vector<16xf32>,
      %lt3A = arith.cmpf olt, %gather3A, %abs3A : vector<16xf32>
      %jit3A = arith.constant 32 : i32
      %jit3A_18 = arith.constant 0 : i32
      %broadcast_in_dim3A_19 = vector.broadcast %jit3A : i32 to vector<16xi32>
      %broadcast_in_dim3A_20 = vector.broadcast %jit3A_18 : i32 to vector<16xi32>
      %select_n3A = arith.select %lt3A, %broadcast_in_dim3A_19, %broadcast_in_dim3A_20 : vector<16xi1>, vector<16xi32>
      %add3A_21 = arith.addi %broadcast_in_dim3A_14, %select_n3A : vector<16xi32>
      %add3A_22 = arith.constant 15 : i32
      %add3A_23 = vector.broadcast %add3A_22 : i32 to vector<16xi32>
      %add3A_24 = arith.addi %add3A_21, %add3A_23 : vector<16xi32>
      %gather3A_25 = tpu.vector_load_idx %arg8[%add3A_24] : memref<64xf32, #tpu.memory_space<vmem>>[vector<16xi32>], vector<16xf32>,
      %lt3A_26 = arith.cmpf olt, %gather3A_25, %abs3A : vector<16xf32>
      %jit3A_27 = arith.constant 16 : i32
      %jit3A_28 = arith.constant 0 : i32
      %broadcast_in_dim3A_29 = vector.broadcast %jit3A_27 : i32 to vector<16xi32>
      %broadcast_in_dim3A_30 = vector.broadcast %jit3A_28 : i32 to vector<16xi32>
      %select_n3A_31 = arith.select %lt3A_26, %broadcast_in_dim3A_29, %broadcast_in_dim3A_30 : vector<16xi1>, vector<16xi32>
      %add3A_32 = arith.addi %add3A_21, %select_n3A_31 : vector<16xi32>
      %add3A_33 = arith.constant 7 : i32
      %add3A_34 = vector.broadcast %add3A_33 : i32 to vector<16xi32>
      %add3A_35 = arith.addi %add3A_32, %add3A_34 : vector<16xi32>
      %gather3A_36 = tpu.vector_load_idx %arg8[%add3A_35] : memref<64xf32, #tpu.memory_space<vmem>>[vector<16xi32>], vector<16xf32>,
      %lt3A_37 = arith.cmpf olt, %gather3A_36, %abs3A : vector<16xf32>
      %jit3A_38 = arith.constant 8 : i32
      %jit3A_39 = arith.constant 0 : i32
      %broadcast_in_dim3A_40 = vector.broadcast %jit3A_38 : i32 to vector<16xi32>
      %broadcast_in_dim3A_41 = vector.broadcast %jit3A_39 : i32 to vector<16xi32>
      %select_n3A_42 = arith.select %lt3A_37, %broadcast_in_dim3A_40, %broadcast_in_dim3A_41 : vector<16xi1>, vector<16xi32>
      %add3A_43 = arith.addi %add3A_32, %select_n3A_42 : vector<16xi32>
      %add3A_44 = arith.constant 3 : i32
      %add3A_45 = vector.broadcast %add3A_44 : i32 to vector<16xi32>
      %add3A_46 = arith.addi %add3A_43, %add3A_45 : vector<16xi32>
      %gather3A_47 = tpu.vector_load_idx %arg8[%add3A_46] : memref<64xf32, #tpu.memory_space<vmem>>[vector<16xi32>], vector<16xf32>,
      %lt3A_48 = arith.cmpf olt, %gather3A_47, %abs3A : vector<16xf32>
      %jit3A_49 = arith.constant 4 : i32
      %jit3A_50 = arith.constant 0 : i32
      %broadcast_in_dim3A_51 = vector.broadcast %jit3A_49 : i32 to vector<16xi32>
      %broadcast_in_dim3A_52 = vector.broadcast %jit3A_50 : i32 to vector<16xi32>
      %select_n3A_53 = arith.select %lt3A_48, %broadcast_in_dim3A_51, %broadcast_in_dim3A_52 : vector<16xi1>, vector<16xi32>
      %add3A_54 = arith.addi %add3A_43, %select_n3A_53 : vector<16xi32>
      %add3A_55 = arith.constant 1 : i32
      %add3A_56 = vector.broadcast %add3A_55 : i32 to vector<16xi32>
      %add3A_57 = arith.addi %add3A_54, %add3A_56 : vector<16xi32>
      %gather3A_58 = tpu.vector_load_idx %arg8[%add3A_57] : memref<64xf32, #tpu.memory_space<vmem>>[vector<16xi32>], vector<16xf32>,
      %lt3A_59 = arith.cmpf olt, %gather3A_58, %abs3A : vector<16xf32>
      %jit3A_60 = arith.constant 2 : i32
      %jit3A_61 = arith.constant 0 : i32
      %broadcast_in_dim3A_62 = vector.broadcast %jit3A_60 : i32 to vector<16xi32>
      %broadcast_in_dim3A_63 = vector.broadcast %jit3A_61 : i32 to vector<16xi32>
      %select_n3A_64 = arith.select %lt3A_59, %broadcast_in_dim3A_62, %broadcast_in_dim3A_63 : vector<16xi1>, vector<16xi32>
      %add3A_65 = arith.addi %add3A_54, %select_n3A_64 : vector<16xi32>
      %add3A_66 = arith.constant 0 : i32
      %add3A_67 = vector.broadcast %add3A_66 : i32 to vector<16xi32>
      %add3A_68 = arith.addi %add3A_65, %add3A_67 : vector<16xi32>
      %gather3A_69 = tpu.vector_load_idx %arg8[%add3A_68] : memref<64xf32, #tpu.memory_space<vmem>>[vector<16xi32>], vector<16xf32>,
      %lt3A_70 = arith.cmpf olt, %gather3A_69, %abs3A : vector<16xf32>
      %jit3A_71 = arith.constant 1 : i32
      %jit3A_72 = arith.constant 0 : i32
      %broadcast_in_dim3A_73 = vector.broadcast %jit3A_71 : i32 to vector<16xi32>
      %broadcast_in_dim3A_74 = vector.broadcast %jit3A_72 : i32 to vector<16xi32>
      %select_n3A_75 = arith.select %lt3A_70, %broadcast_in_dim3A_73, %broadcast_in_dim3A_74 : vector<16xi1>, vector<16xi32>
      %add3A_76 = arith.addi %add3A_65, %select_n3A_75 : vector<16xi32>
      %gather3A_77 = tpu.vector_load_idx %arg9[%add3A_76] : memref<64xf32, #tpu.memory_space<vmem>>[vector<16xi32>], vector<16xf32>,
      %mul3A_78 = arith.constant 16 : i32
      %mul3A_79 = arith.muli %scan3A_9, %mul3A_78 : i32
      %swap3A = arith.index_cast %mul3A_79 : i32 to index
      %swap3A_80 = tpu.vector_load %arg7[%swap3A] {strides = array<i32>} : memref<24576xf32, #tpu.memory_space<vmem>>, vector<16xf32>,
      tpu.vector_store %arg7[%swap3A], %gather3A_77 {strides = array<i32>} : memref<24576xf32, #tpu.memory_space<vmem>>, vector<16xf32>,
      %scan3A_81 = arith.constant 0 : i32
      scf.yield %scan3A_81 : i32
    }
    %scan3A_8 = arith.constant 1536 : i32
    "tpu.region"() ({
      %run_scoped3A = tpu.sem_alloc : memref<!tpu.dma_semaphore, #tpu.memory_space<semaphore_mem>>
      %dma_start3A = tpu.memref_slice %arg5[%mul3A_2] : memref<786432xf32, #tpu.memory_space<hbm>> -> memref<24576xf32, #tpu.memory_space<hbm>>
      %dma_start3A_9 = tpu.memref_slice %arg5[%mul3A_2] : memref<786432xf32, #tpu.memory_space<hbm>> -> memref<24576xf32, #tpu.memory_space<hbm>>
      tpu.enqueue_dma source(%arg7 : memref<24576xf32, #tpu.memory_space<vmem>>) target(%dma_start3A_9 : memref<24576xf32, #tpu.memory_space<hbm>>) target_semaphore(%run_scoped3A : memref<!tpu.dma_semaphore, #tpu.memory_space<semaphore_mem>>)
      %dma_wait3A = tpu.memref_slice %arg5[%mul3A_2] : memref<786432xf32, #tpu.memory_space<hbm>> -> memref<24576xf32, #tpu.memory_space<hbm>>
      %dma_wait3A_10 = tpu.memref_slice %arg5[%mul3A_2] : memref<786432xf32, #tpu.memory_space<hbm>> -> memref<24576xf32, #tpu.memory_space<hbm>>
      tpu.wait_dma2 semaphore(%run_scoped3A : memref<!tpu.dma_semaphore, #tpu.memory_space<semaphore_mem>>) src(%arg7 : memref<24576xf32, #tpu.memory_space<vmem>>) dst(%dma_wait3A_10 : memref<24576xf32, #tpu.memory_space<hbm>>)
      tpu.yield
    }) : () -> ()
    return
  }
}

module attributes {stable_mosaic.version = 14 : i64} {
  func.func @_tc_body(%arg0: i32, %arg1: memref<16x128x768xf32, #tpu.memory_space<vmem>>, %arg2: memref<128x768xf32, #tpu.memory_space<vmem>>, %arg3: memref<128x768xf32, #tpu.memory_space<vmem>>, %arg4: memref<16x128x768xf32, #tpu.memory_space<vmem>>) attributes {dimension_semantics = [#tpu.dimension_semantics<arbitrary>], iteration_bounds = array<i64: 8>, scalar_prefetch = 0 : i64, scratch_operands = 0 : i64, tpu.core_type = #tpu.core_type<tc>, window_params = [{transform_indices = @transform_0, window_bounds = array<i64: 16, 128, 768>}, {transform_indices = @transform_1, window_bounds = array<i64: 128, 768>}, {transform_indices = @transform_2, window_bounds = array<i64: 128, 768>}, {transform_indices = @transform_3, window_bounds = array<i64: 16, 128, 768>}]} {
    %get3A = arith.constant 0 : index
    %get3A_0 = arith.constant 0 : index
    %get3A_1 = vector.load %arg2[%get3A, %get3A_0] : memref<128x768xf32, #tpu.memory_space<vmem>>, vector<128x768xf32>
    %get3A_2 = arith.constant 0 : index
    %get3A_3 = arith.constant 0 : index
    %get3A_4 = vector.load %arg3[%get3A_2, %get3A_3] : memref<128x768xf32, #tpu.memory_space<vmem>>, vector<128x768xf32>
    %get3A_5 = arith.constant 0 : index
    %get3A_6 = arith.constant 0 : index
    %get3A_7 = arith.constant 0 : index
    %get3A_8 = vector.load %arg1[%get3A_5, %get3A_6, %get3A_7] : memref<16x128x768xf32, #tpu.memory_space<vmem>>, vector<16x128x768xf32>
    %broadcast_in_dim3A = vector.shape_cast %get3A_1 : vector<128x768xf32> to vector<1x128x768xf32>
    %broadcast_in_dim3A_9 = vector.shape_cast %get3A_4 : vector<128x768xf32> to vector<1x128x768xf32>
    %sub3A = vector.broadcast %broadcast_in_dim3A_9 : vector<1x128x768xf32> to vector<16x128x768xf32>
    %sub3A_10 = arith.subf %get3A_8, %sub3A : vector<16x128x768xf32>
    %div3A = vector.broadcast %broadcast_in_dim3A : vector<1x128x768xf32> to vector<16x128x768xf32>
    %div3A_11 = arith.divf %sub3A_10, %div3A : vector<16x128x768xf32>
    %round3A = math.roundeven %div3A_11 : vector<16x128x768xf32>
    %mul3A = vector.broadcast %broadcast_in_dim3A : vector<1x128x768xf32> to vector<16x128x768xf32>
    %mul3A_12 = arith.mulf %round3A, %mul3A : vector<16x128x768xf32>
    %add3A = vector.broadcast %broadcast_in_dim3A_9 : vector<1x128x768xf32> to vector<16x128x768xf32>
    %add3A_13 = arith.addf %mul3A_12, %add3A : vector<16x128x768xf32>
    %swap3A = arith.constant 0 : index
    %swap3A_14 = arith.constant 0 : index
    %swap3A_15 = arith.constant 0 : index
    %swap3A_16 = vector.load %arg4[%swap3A, %swap3A_14, %swap3A_15] : memref<16x128x768xf32, #tpu.memory_space<vmem>>, vector<16x128x768xf32>
    tpu.vector_store %arg4[%swap3A, %swap3A_14, %swap3A_15], %add3A_13 {strides = array<i32>} : memref<16x128x768xf32, #tpu.memory_space<vmem>>, vector<16x128x768xf32>,
    return
  }
  func.func @transform_0(%arg0: i32) -> (i32, i32, i32) {
    %c0_i32 = arith.constant 0 : i32
    %c0_i32_0 = arith.constant 0 : i32
    %c0_i32_1 = arith.constant 0 : i32
    return %c0_i32, %arg0, %c0_i32_0 : i32, i32, i32
  }
  func.func @transform_1(%arg0: i32) -> (i32, i32) {
    %c0_i32 = arith.constant 0 : i32
    %c0_i32_0 = arith.constant 0 : i32
    return %arg0, %c0_i32 : i32, i32
  }
  func.func @transform_2(%arg0: i32) -> (i32, i32) {
    %c0_i32 = arith.constant 0 : i32
    %c0_i32_0 = arith.constant 0 : i32
    return %arg0, %c0_i32 : i32, i32
  }
  func.func @transform_3(%arg0: i32) -> (i32, i32, i32) {
    %c0_i32 = arith.constant 0 : i32
    %c0_i32_0 = arith.constant 0 : i32
    %c0_i32_1 = arith.constant 0 : i32
    return %c0_i32, %arg0, %c0_i32_0 : i32, i32, i32
  }
}

</mosaic_0001>

<sc_bundles>
// kernel: kernel.4.cloned.1.call-start
scs
__scs_entry_jumppad:
0x0: {  	(pc) =	sbr.rel $0x88, $3  }
0x1: {  	(tag) =	ssettag $0x0;
	lr =	simm.s32 $0x1  }
0x2: {  	[smem:$0x3F9C] =	sst lr;
	_ =	strace $0xD0000000  }
0x3: {  	_ = 	snop  }
0x4: {  	_ = 	snop  }
0x5: {  	_ = 	snop  }
0x6: {  	_ = 	snop  }
0x7: {  	_ = 	snop  }
__scs_overlays_trampoline_lowered:
0x8: {  	[smem:$0x3FAB] =	sst s0  }
0x9: {  	[smem:$0x3FAC] =	sst s1  }
0xa: {  	[smem:$0x3FAD] =	sst s2  }
0xb: {  	[smem:$0x3FAE] =	sst s3  }
0xc: {  	[smem:$0x3FAF] =	sst s4  }
0xd: {  	[smem:$0x3FB0] =	sst s5  }
0xe: {  	[smem:$0x3FB1] =	sst s6  }
0xf: {  	[smem:$0x3FB2] =	sst s7  }
0x10: {  	[smem:$0x3FB3] =	sst s8  }
0x11: {  	[smem:$0x3FB4] =	sst s9;
	s0 =	simm.s32 @!p0 $0x0  }
0x12: {  	s1 =	sld [smem:$0x3F9A];
	s0 =	simm.s32 @p0 $0x1  }
0x13: {  	[smem:$0x3FB5] =	sst s0;
	s0 =	simm.s32 @!p1 $0x0  }
0x14: {  	s2 =	sld [smem:$0x3F99];
	s0 =	simm.s32 @p1 $0x1  }
0x15: {  	[smem:$0x3FB6] =	sst s0;
	s0 =	simm.s32 @!p2 $0x0  }
0x16: {  	s3 =	sld [smem:$0x3FDB];
	s0 =	simm.s32 @p2 $0x1  }
0x17: {  	s4 =	simm.s32 $0x1BF5;
	[smem:$0x3FB8] =	sst s0  }
0x18: {  	s0 =	sld [smem:$0x3F9B];
	_ =	swait.ge [sflag:s4], $0x0  }
0x19: {  	s7 =	sld [smem:$0x3F9C]  }
0x1a: {  	s8 =	sadd.s32 $0xFFFFE003, lr  }
0x1b: {  	s9 =	sadd.s32 $0xFFFFFEF7, lr;
	s5 =	simm.s32 $0xFFFFFFFF;
	p2 =	slt.u32 s8, $0xFFFFF086  }
0x1c: {  	p1 =	slt.u32 s9, $0xF7A;
	s5 =	simm.s32 @!p2 $0x0  }
0x1d: {  	s5 =	simm.s32 @p1 $0x1;
	p0 =	seq.s32 s7, s2  }
0x1e: {  	s7 =	smul.u32 @!p0 $0xF7A, s2;
	p2 =	seq.s32 @!p0 s5, $0x0  }
0x1f: {  	s9 =	smul.u32 $0xF7A, s1;
	s8 =	simm.s32 @!p0 $0x1BF5;
	p2 =	por !p2, p0  }
0x20: {  	[sflag:s8] =	ssyncset.s32 @!p0 $0xFFFFF086;
	s6 =	sadd.s32 @!p0 s3, s7;
	s7 =	simm.s32 @!p0 $0x108  }
0x21: {  	s3 =	sadd.s32 s3, s9;
	s6 =	sadd.s32 @!p0 $0x88, s6;
	s7 =	simm.s32 @p2 $0x1082  }
0x22: {  	[simem:s7], [sflag:s8] =	dma.local @!p0 [hbm:s6], $0xF7A  }
0x23: {  	s9 =	sor.u32 $0xD0000000, s2;
	s6 =	simm.s32 $0x108;
	_ =	swait.ge @!p0 [sflag:s8], $0x0  }
0x24: {  	s3 =	sadd.s32 $0x88, s3;
	s6 =	simm.s32 @!p1 $0x1082;
	[sflag:s4] =	ssyncset.s32 $0xFFFFF086  }
0x25: {  	[simem:s6], [sflag:s4] =	dma.local [hbm:s3], $0xF7A  }
0x26: {  	[smem:$0x3F9C] =	sst s1;
	(tag) =	ssettag s2;
	_ =	strace s9  }
0x27: {  	s1 =	sld [smem:$0x3FAC]  }
0x28: {  	s2 =	sld [smem:$0x3FAD]  }
0x29: {  	s4 =	sld [smem:$0x3FAF]  }
0x2a: {  	p0 =	seq.s32 s5, $0x0;
	s5 =	sld [smem:$0x3FB0]  }
0x2b: {  	s6 =	sld [smem:$0x3FB1]  }
0x2c: {  	s7 =	sld [smem:$0x3FB2]  }
0x2d: {  	s3 =	simm.s32 $0x108;
	s8 =	sld [smem:$0x3FB3]  }
0x2e: {  	s3 =	simm.s32 @!p0 $0x1082;
	s9 =	sld [smem:$0x3FB4]  }
0x2f: {  	lr =	sadd.s32 s0, s3;
	s0 =	sld [smem:$0x3FAB]  }
0x30: {  	s3 =	sld [smem:$0x3FAE]  }
0x31: {  	[smem:$0x3FB7] =	sst s10  }
0x32: {  	s10 =	sld [smem:$0x3FB5];
	_ =	sdelay $0x3  }
0x33: {  	p0 =	seq.s32 s10, $0x1;
	s10 =	sld [smem:$0x3FB7];
	_ =	sdelay $0x3  }
0x34: {  	[smem:$0x3FB7] =	sst s10  }
0x35: {  	s10 =	sld [smem:$0x3FB6];
	_ =	sdelay $0x3  }
0x36: {  	p1 =	seq.s32 s10, $0x1;
	s10 =	sld [smem:$0x3FB7];
	_ =	sdelay $0x3  }
0x37: {  	[smem:$0x3FB7] =	sst s10  }
0x38: {  	s10 =	sld [smem:$0x3FB8]  }
0x39: {  	_ = 	snop;
	(pc) =	sbr.ind lr, $3  }
0x3a: {  	_ = 	snop  }
0x3b: {  	_ = 	snop  }
0x3c: {  	p2 =	seq.s32 s10, $0x1;
	s10 =	sld [smem:$0x3FB7]  }
0x3d: {  	_ =	shalt  }
0x3e: {  	_ =	shalt  }
0x3f: {  	_ =	shalt  }
0x40: {  	_ =	shalt  }
0x41: {  	_ =	shalt  }
0x42: {  	_ =	shalt  }
0x43: {  	_ =	shalt  }
0x44: {  	_ =	shalt  }
0x45: {  	_ =	shalt  }
0x46: {  	_ =	shalt  }
0x47: {  	_ =	shalt  }
0x48: {  	_ =	shalt  }
0x49: {  	_ =	shalt  }
0x4a: {  	_ =	shalt  }
0x4b: {  	_ =	shalt  }
0x4c: {  	_ =	shalt  }
0x4d: {  	_ =	shalt  }
0x4e: {  	_ =	shalt  }
0x4f: {  	_ =	shalt  }
0x50: {  	_ =	shalt  }
0x51: {  	_ =	shalt  }
0x52: {  	_ =	shalt  }
0x53: {  	_ =	shalt  }
0x54: {  	_ =	shalt  }
0x55: {  	_ =	shalt  }
0x56: {  	_ =	shalt  }
0x57: {  	_ =	shalt  }
0x58: {  	_ =	shalt  }
0x59: {  	_ =	shalt  }
0x5a: {  	_ =	shalt  }
0x5b: {  	_ =	shalt  }
0x5c: {  	_ =	shalt  }
0x5d: {  	_ =	shalt  }
0x5e: {  	_ =	shalt  }
0x5f: {  	_ =	shalt  }
0x60: {  	_ =	shalt  }
0x61: {  	_ =	shalt  }
0x62: {  	_ =	shalt  }
0x63: {  	_ =	shalt  }
0x64: {  	_ =	shalt  }
0x65: {  	_ =	shalt  }
0x66: {  	_ =	shalt  }
0x67: {  	_ =	shalt  }
0x68: {  	_ =	shalt  }
0x69: {  	_ =	shalt  }
0x6a: {  	_ =	shalt  }
0x6b: {  	_ =	shalt  }
0x6c: {  	_ =	shalt  }
0x6d: {  	_ =	shalt  }
0x6e: {  	_ =	shalt  }
0x6f: {  	_ =	shalt  }
0x70: {  	_ =	shalt  }
0x71: {  	_ =	shalt  }
0x72: {  	_ =	shalt  }
0x73: {  	_ =	shalt  }
0x74: {  	_ =	shalt  }
0x75: {  	_ =	shalt  }
0x76: {  	_ =	shalt  }
0x77: {  	_ =	shalt  }
0x78: {  	_ =	shalt  }
0x79: {  	_ =	shalt  }
0x7a: {  	_ =	shalt  }
0x7b: {  	_ =	shalt  }
0x7c: {  	_ =	shalt  }
0x7d: {  	_ =	shalt  }
0x7e: {  	_ =	shalt  }
0x7f: {  	_ =	shalt  }
0x80: {  	_ =	shalt  }
0x81: {  	_ =	shalt  }
0x82: {  	_ =	shalt  }
0x83: {  	_ =	shalt  }
0x84: {  	_ =	shalt  }
0x85: {  	_ =	shalt  }
0x86: {  	_ =	shalt  }
0x87: {  	_ =	shalt  }
.Lfunc_end0:
.L_simem_size_0:
called_computation_lowered:
.L_overlay_start_0:
0x88: {  	s2 =	sld [smem:$0x3FD9]  }
0x89: {  	s3 =	sld [smem:$0x3FFE];
	_ =	sdelay $0x1  }
0x8a: {  	s1 =	srdreg.scid  }
0x8b: {  	s0 =	sand.u32 $0x1, s1  }
0x8c: {  	s17 =	sshll.u32 s0, $0xA;
	s2 =	sadd.s32 s3, s2  }
0x8d: {  	s2 =	sadd.s32 s2, s17  }
0x8e: {  	[smem:$0x3FC3] =	sst s2  }
0x8f: {  	_ = 	snop  }
0x90: {  	s2 =	sld [smem:$0x3FC6]  }
0x91: {  	s18 =	sld [smem:$0x3FD0];
	(tm) =	ssettm $0x1  }
0x92: {  	s4 =	sld [smem:$0x3FFB];
	_ =	sdelay $0x3  }
0x93: {  	_ =	strace s4  }
0x94: {  	s4 =	sld [smem:$0x3FFC];
	_ =	sdelay $0x3  }
0x95: {  	_ =	strace s4  }
0x96: {  	s4 =	sld [smem:$0x3FFD];
	_ =	sdelay $0x3  }
0x97: {  	_ =	strace s4  }
0x98: {  	_ =	strace $0x8FFFFFFF  }
0x99: {  	s19 =	sld [smem:$0x3FDB];
	_ =	sdelay $0x1  }
0x9a: {  	s5 =	simm.s32 $_scs_section_size  }
0x9b: {  	s6 =	simm.s32 $_size__tile_overlayer_lowered;
	s7 =	simm.s32 $_tile_overlayer_lowered  }
0x9c: {  	s22 =	simm.s32 $0x1BFF;
	s21 =	sshll.u32 s7, $0x1;
	s4 =	sadd.s32 s5, s19  }
0x9d: {  	s8 =	simm.s32 $0x0;
	s20 =	sshll.u32 s6, $0x1;
	s6 =	sadd.s32 s21, s4  }
0x9e: {  	[timem:s8], [sflag:s22] =	dma.local [hbm:s6], s20  }
0x9f: {  	_ =	swait.ge [sflag:s22], s20  }
0xa0: {  	s5 =	ssub.s32 $0x0, s20;
	[sflag:s22] =	ssyncset.done $0x0  }
0xa1: {  	[sflag:s22] =	ssyncadd.s32 s5;
	_ =	sdelay $0x1  }
0xa2: {  	s23 =	simm.s32 $0x1B8B  }
0xa3: {  	_ =	swait.ge [sflag:s23], $0x1  }
0xa4: {  	[sflag:s23] =	ssyncset.done $0x0  }
0xa5: {  	s25 =	simm.s32 $0x1B8E;
	s24 =	sld [smem:$0x3FFE];
	[sflag:s23] =	ssyncadd.s32 $0xFFFFFFFF  }
0xa6: {  	s26 =	simm.s32 $execute0_lowered;
	[smem:$0x3FD2] =	sst s25  }
0xa7: {  	s6 =	sshll.u32 s26, $0x1;
	_ =	strace $0x80000046;
	[dreg:$0x1] =	wrdreg $0xFFFFFFFF  }
0xa8: {  	s28 =	simm.s32 $_size_execute0_lowered;
	s4 =	sadd.s32 s4, s6;
	[dreg:$0x0] =	wrdreg $0x0  }
0xa9: {  	s6 =	sshll.u32 s28, $0x1;
	[dreg:$0x2] =	wrdreg s4  }
0xaa: {  	[dreg:$0x3] =	wrdreg s6  }
0xab: {  	[dreg:$0x4] =	wrdreg $0xC0  }
0xac: {  	_ =	task [dreg:s8], $0x5FFFF  }
0xad: {  	[dreg:$0x1] =	wrdreg $0xFFFFFFFF  }
0xae: {  	[dreg:$0x0] =	wrdreg $0x60  }
0xaf: {  	[dreg:$0x2] =	wrdreg s18  }
0xb0: {  	[dreg:$0x3] =	wrdreg s24  }
0xb1: {  	[dreg:$0x4] =	wrdreg s2  }
0xb2: {  	[dreg:$0x5] =	wrdreg $0x9  }
0xb3: {  	_ =	task.clear_ibuf [dreg:s8], $0x6FFFF;
	_ =	strace $0x90000046  }
0xb4: {  	s29 =	simm.s32 $0x9;
	_ =	strace $0x80000048  }
0xb5: {  	_ =	swait.ge [sflag:s29], $0x1  }
0xb6: {  	[sflag:s29] =	ssyncadd.s32 $0xFFFFFFFF  }
0xb7: {  	_ =	strace $0x90000048  }
0xb8: {  	_ =	sfence  }
0xb9: {  	s30 =	sld [smem:$0x0];
	_ =	sdelay $0x2  }
0xba: {  	s31 =	sshll.u32 s1, $0xD;
	s1 =	sshrl.u32 s1, $0x2  }
0xbb: {  	s3 =	sand.u32 $0x4000, s31;
	s1 =	sadd.s32 s1, s30  }
0xbc: {  	s0 =	sor.u32 s3, s0;
	s1 =	sshll.u32 s1, $0x11  }
0xbd: {  	s0 =	sor.u32 s1, s0  }
0xbe: {  	s0 =	sadd.s32 $0x8F2B, s0  }
0xbf: {  	[sflag:s0] =	ssyncadd.remote.s32 $0x1  }
0xc0: {  	_ =	sfence.sel $0xFFFF  }
0xc1: {  	[dreg:$0x0] =	wrdreg $0xFFFFFFFF;
	(pc) =	sbr.abs _section_cstart, $3  }
0xc2: {  	[dreg:$0x1] =	wrdreg $0xFFFFFFFF  }
0xc3: {  	_ =	task.clear_ibuf [dreg:s8], $0x2FFFF;
	_ =	strace $0x9FFFFFFF  }
0xc4: {  	(tm) =	ssettm $0x7FFFFFFF  }
0xc5: {  	_ =	shalt  }
tec
execute0_lowered:
.L_overlay_start_1:
0x0: {  	(tag) =	ssettag $0x1  }
0x1: {  	s5 =	rddreg [dreg:$0x0]  }
0x2: {  	s6 =	rddreg [dreg:$0x1];
	s1 =	srdreg.scid  }
0x3: {  	s0 =	stileid.u32;
	s2 =	rddreg [dreg:$0x2]  }
0x4: {  	s3 =	simm.s32 $0x0;
	s10 =	simm.s32 $0xC080;
	s11 =	simm.s32 $0x6000  }
0x5: {  	s12 =	simm.s32 $0x0;
	s4 =	sand.u32 $0x1, s1;
	s7 =	sshll.u32 s0, $0x1  }
0x6: {  	s1 =	rddreg [dreg:$0x3];
	s7 =	sor.u32 s4, s7;
	s8 =	ssub.s32 $0x2, s4  }
0x7: {  	[smem:$0x7FF] =	sst s3;
	s7 =	smul.u32 $0xC00, s7;
	s9 =	sshrl.u32 s8, $0x1  }
0x8: {  	v0 =	vimm.s32 $0x1F;
	_ =	strace $0x80000047;
	s4 =	sadd.s32 $0x800, s6;
	s8 =	ssub.s32 s8, s9  }
0x9: {  	s9 =	simm.s32 $0x1;
	s6 =	sadd.s32 s7, s6;
	s5 =	sadd.s32 s5, s7  }
0xa: {  	v1 =	vimm.s32 $0x0;
	s7 =	smax.u32 s8, $0x1;
	s8 =	simm.s32 $0xC000;
	s6 =	sadd.s32 $0xA00, s6  }
.LBB2_1:
0xb: {  	[tilespmem:s8], [sflag:$0x1] =	stream.linear.gather [hbm4b:s4+s3], $0x80, $0x38;
	[tilespmem:$0xC100] =	vst v63  }
0xc: {  	_ =	swait.ge [sflag:s9], $0x80  }
0xd: {  	[sflag:s9] =	ssyncset.done $0x0  }
0xe: {  	[sflag:s9] =	ssyncadd.s32 $0xFFFFFF80  }
0xf: {  	[tilespmem:s10], [sflag:$0x1] =	stream.linear.gather [hbm4b:s2+s3], $0x80, $0x38;
	[tilespmem:$0xC100] =	vst v63  }
0x10: {  	_ =	swait.ge [sflag:s9], $0x80  }
0x11: {  	[sflag:s9] =	ssyncset.done $0x0  }
0x12: {  	[sflag:s9] =	ssyncadd.s32 $0xFFFFFF80  }
0x13: {  	[tilespmem:s3], [sflag:$0x1] =	stream.linear.gather [hbm4b:s5+s3], $0x6000, $0x38;
	[tilespmem:$0xC100] =	vst v63  }
0x14: {  	_ =	swait.ge [sflag:s9], $0x6000  }
0x15: {  	[sflag:s9] =	ssyncset.done $0x0  }
0x16: {  	s13 =	simm.s32 $0x0;
	[sflag:s9] =	ssyncadd.s32 $0xFFFFA000  }
.LBB2_2:
0x17: {  	s14 =	sshra.s32 s13, $0x2  }
0x18: {  	v2 =	vld [tilespmem:s14+$0x0]  }
0x19: {  	v3 =	vld.idx.msk [tilespmem:v0+s8+$0x0], $0xffff;
	_ =	sdelay $0x3  }
0x1a: {  	v2 =	vand.u32 $0x7FFFFFFF, v2  }
0x1b: {  	vm0 =	vlt.f32 v3, v2  }
0x1c: {  	v3 =	vsel vm0, $0x20, v1  }
0x1d: {  	v4 =	vor.u32 $0xF, v3;
	_ =	sdelay $0x4  }
0x1e: {  	v4 =	vld.idx.msk [tilespmem:v4+s8+$0x0], $0xffff;
	_ =	sdelay $0x4  }
0x1f: {  	vm11 =	vlt.f32 v4, v2  }
0x20: {  	v4 =	vsel vm11, $0x10, v1  }
0x21: {  	v3 =	vor.u32 v3, v4  }
0x22: {  	v4 =	vor.u32 $0x7, v3;
	_ =	sdelay $0x4  }
0x23: {  	v4 =	vld.idx.msk [tilespmem:v4+s8+$0x0], $0xffff;
	_ =	sdelay $0x4  }
0x24: {  	vm12 =	vlt.f32 v4, v2  }
0x25: {  	v4 =	vsel vm12, $0x8, v1  }
0x26: {  	v3 =	vor.u32 v4, v3  }
0x27: {  	v4 =	vor.u32 $0x3, v3;
	_ =	sdelay $0x4  }
0x28: {  	v4 =	vld.idx.msk [tilespmem:v4+s8+$0x0], $0xffff;
	_ =	sdelay $0x4  }
0x29: {  	vm13 =	vlt.f32 v4, v2  }
0x2a: {  	v4 =	vsel vm13, $0x4, v1  }
0x2b: {  	v3 =	vor.u32 v4, v3  }
0x2c: {  	v4 =	vor.u32 $0x1, v3;
	_ =	sdelay $0x4  }
0x2d: {  	v4 =	vld.idx.msk [tilespmem:v4+s8+$0x0], $0xffff;
	_ =	sdelay $0x4  }
0x2e: {  	vm14 =	vlt.f32 v4, v2  }
0x2f: {  	v4 =	vsel vm14, $0x2, v1  }
0x30: {  	v3 =	vor.u32 v4, v3;
	_ =	sdelay $0x4  }
0x31: {  	v4 =	vld.idx.msk [tilespmem:v3+s8+$0x0], $0xffff;
	_ =	sdelay $0x4  }
0x32: {  	vm15 =	vlt.f32 v4, v2  }
0x33: {  	v2 =	vsel vm15, $0x1, v1  }
0x34: {  	v2 =	vor.u32 v2, v3;
	_ =	sdelay $0x4  }
0x35: {  	p0 =	sne.s32 s13, $0x17FC0;
	v2 =	vld.idx.msk [tilespmem:v2+s10+$0x0], $0xffff  }
.Ltmp0:
0x36: {  	_ = 	snop;
	(pc) =	sbr.rel @p0 .LBB2_2-.Ltmp0, $2  }
0x37: {  	_ =	sdelay $0x2  }
0x38: {  	s13 =	sadd.s32 $0x40, s13;
	[tilespmem:s14+$0x6000] =	vst v2  }
0x39: {  	s12 =	sadd.s32 $0x1, s12  }
0x3a: {  	p0 =	sne.s32 s12, s7  }
.Ltmp1:
0x3b: {  	_ = 	snop;
	(pc) =	sbr.rel @p0 .LBB2_1-.Ltmp1, $4  }
0x3c: {  	[hbm4b:s6+s3] =	stream.linear.scatter [tilespmem:s11], [sflag:$0x1], $0x6000, $0x38;
	[tilespmem:$0xC100] =	vst v63  }
0x3d: {  	_ =	swait.ge [sflag:s9], $0x6000  }
0x3e: {  	[sflag:s9] =	ssyncset.done $0x0  }
0x3f: {  	[sflag:s9] =	ssyncadd.s32 $0xFFFFA000  }
0x40: {  	_ =	sfence.sel $0x180000  }
0x41: {  	[bflag:$0x0] =	sbarrier.arrive $0xFFFF  }
0x42: {  	p0 =	sne.s32 s0, $0x0;
	_ =	strace $0x90000047  }
0x43: {  	s0 =	sadd.s32 @!p0 $0x100000, s1;
	[bflag:$0x2] =	sbarrier.arrive $0xFFFF  }
0x44: {  	[sflag:s0] =	ssyncadd.tile.s32 @!p0 $0x1;
	_ =	shalt  }
.Lfunc_end2:
_tile_overlayer_lowered:
.L_overlay_start_2:
0x45: {  	(tag) =	ssettag $0x2  }
0x46: {  	s0 =	rddreg [dreg:$0x0];
	s2 =	stileid.u32  }
0x47: {  	s1 =	rddreg [dreg:$0x1];
	p0 =	sne.s32 s2, $0x0  }
0x48: {  	s3 =	rddreg [dreg:$0x2];
	[bflag:$0x3] =	sbarrier.arrive $0xFFFF;
	s2 =	simm.s32 @!p0 $0x1C01  }
0x49: {  	[timem:s3], [sflag:s2] =	dma.local @!p0 [hbm:s0], s1  }
0x4a: {  	s0 =	simm.s32 @!p0 $0x1  }
0x4b: {  	_ =	swait.ge @!p0 [sflag:s0], s1  }
0x4c: {  	s1 =	ssub.s32 @!p0 $0x0, s1;
	[sflag:s0] =	ssyncset.done @!p0 $0x0  }
0x4d: {  	[sflag:s0] =	ssyncadd.s32 @!p0 s1  }
0x4e: {  	[bflag:$0x3] =	sbarrier.arrive $0xFFFF  }
0x4f: {  	_ =	shalt  }

</sc_bundles>
